<compile_context>
chip_gen: v7x
topology: tpu7x:2x2x1
jax: 0.10.2.dev20260603
libtpu: 0.0.44.dev20260713+nightly
codegen_flags: <defaults>
</compile_context>

<pallas_src>
import functools

import jax
import jax.numpy as jnp
from jax import lax
from jax.experimental import pallas as pl
from jax.experimental.pallas import tpu as pltpu
from jax.experimental.pallas import tpu_sc as plsc

B = 1024
D_IN = 512
LATENT = 64
SOM_H = 32
SOM_W = 32
N_CODES = SOM_H * SOM_W

_DOT = functools.partial(
    jnp.dot,
    preferred_element_type=jnp.float32,
    precision=lax.Precision.DEFAULT,
)
_DG_HI = functools.partial(
    lax.dot_general,
    preferred_element_type=jnp.float32,
    precision=lax.Precision.HIGHEST,
)
_DG_LO = functools.partial(
    lax.dot_general,
    preferred_element_type=jnp.float32,
    precision=lax.Precision.DEFAULT,
)


BMA = 256
GRID_A = B // BMA


def _tc_a_body(x_ref, wet_ref, be_ref, wdq_ref, bdq_ref, wde_ref, bde_ref,
               e_ref, eblk_ref, xe_ref, zet_ref, dist_ref, k_ref, kcol_ref,
               cb_ref, ee_ref):
    i = pl.program_id(0)
    x = x_ref[:]
    wet = wet_ref[:]
    e2d = e_ref[:]

    @pl.when(i == 0)
    def _():
        ones = jnp.ones((1, LATENT), jnp.float32)
        ee_ref[:] = _DG_HI(ones, e2d * e2d, (((1,), (1,)), ((), ())))

    z = _DG_LO(x, wet, (((1,), (1,)), ((), ()))) + be_ref[:][None, :]
    zet_ref[:] = _DG_LO(wet, x, (((1,), (1,)), ((), ()))) + be_ref[:][:, None]
    xe_ref[:] = _DOT(z, wde_ref[:]) + bde_ref[:][None, :]
    cb_ref[:] = _DOT(eblk_ref[:], wdq_ref[:]) + bdq_ref[:][None, :]

    score = _DG_HI(z, e2d, (((1,), (1,)), ((), ())))
    key = ee_ref[:] - 2.0 * score
    zz = jnp.sum(z * z, axis=1, keepdims=True)
    dist_ref[:] = key + zz

    m = jnp.min(key, axis=1, keepdims=True)
    iot = lax.broadcasted_iota(jnp.int32, (BMA, N_CODES), 1)
    hit = jnp.where(key == m, iot, jnp.int32(N_CODES))
    kcol_ref[:] = jnp.min(hit, axis=1, keepdims=True)
    k_ref[:] = jnp.min(hit, axis=1)


def _tc_a(x, WeT, b_enc, W_dec_q, b_dec_q, W_dec_e, b_dec_e, e2d):
    full = lambda *s: pl.BlockSpec(s, lambda i: (0,) * len(s))
    return pl.pallas_call(
        _tc_a_body,
        grid=(GRID_A,),
        in_specs=[
            pl.BlockSpec((BMA, D_IN), lambda i: (i, 0)),
            full(LATENT, D_IN),
            full(LATENT),
            full(LATENT, D_IN),
            full(D_IN),
            full(LATENT, D_IN),
            full(D_IN),
            full(N_CODES, LATENT),
            pl.BlockSpec((BMA, LATENT), lambda i: (i, 0)),
        ],
        out_specs=[
            pl.BlockSpec((BMA, D_IN), lambda i: (i, 0)),
            pl.BlockSpec((LATENT, BMA), lambda i: (0, i)),
            pl.BlockSpec((BMA, N_CODES), lambda i: (i, 0)),
            pl.BlockSpec((BMA,), lambda i: (i,)),
            pl.BlockSpec((BMA, 1), lambda i: (i, 0)),
            pl.BlockSpec((BMA, D_IN), lambda i: (i, 0)),
        ],
        out_shape=[
            jax.ShapeDtypeStruct((B, D_IN), jnp.float32),
            jax.ShapeDtypeStruct((LATENT, B), jnp.float32),
            jax.ShapeDtypeStruct((B, N_CODES), jnp.float32),
            jax.ShapeDtypeStruct((B,), jnp.int32),
            jax.ShapeDtypeStruct((B, 1), jnp.int32),
            jax.ShapeDtypeStruct((N_CODES, D_IN), jnp.float32),
        ],
        scratch_shapes=[pltpu.VMEM((1, N_CODES), jnp.float32)],
    )(x, WeT, b_enc, W_dec_q, b_dec_q, W_dec_e, b_dec_e, e2d, e2d)


def _tc_b_body(kcol_ref, e_ref, nbrt_ref, zqt_ref):
    ez = e_ref[:]
    zrows = jnp.zeros((SOM_W, LATENT), jnp.float32)
    e_up = jnp.concatenate([ez[SOM_W:], zrows], axis=0)
    e_dn = jnp.concatenate([zrows, ez[:N_CODES - SOM_W]], axis=0)
    e_lf = jnp.concatenate(
        [jnp.zeros((1, LATENT), jnp.float32), ez[:N_CODES - 1]], axis=0)
    keep = (lax.broadcasted_iota(jnp.int32, (N_CODES, 1), 0) & 31) != 0
    e_lf = jnp.where(keep, e_lf, 0.0)
    ecat = jnp.concatenate([ez, e_up, e_dn, e_lf], axis=1)

    kcol = kcol_ref[:]
    iot = lax.broadcasted_iota(jnp.int32, (B, N_CODES), 1)
    oh = (iot == kcol).astype(jnp.float32)
    rows4 = _DG_HI(oh, ecat, (((1,), (0,)), ((), ())))
    zqt = rows4[:, 0:LATENT].T
    nbrt_ref[0] = zqt
    zqt_ref[:] = zqt
    nbrt_ref[1] = rows4[:, LATENT:2 * LATENT].T
    nbrt_ref[2] = rows4[:, 2 * LATENT:3 * LATENT].T
    nbrt_ref[3] = jnp.zeros((LATENT, B), jnp.float32)
    nbrt_ref[4] = rows4[:, 3 * LATENT:4 * LATENT].T


def _tc_b(kcol, e2d):
    return pl.pallas_call(
        _tc_b_body,
        out_shape=[
            jax.ShapeDtypeStruct((5, LATENT, B), jnp.float32),
            jax.ShapeDtypeStruct((LATENT, B), jnp.float32),
        ],
    )(kcol, e2d)


_NC = 2
_NS = 16
_NW = _NC * _NS
BPW = B // _NW


def _sc_body(k_hbm, cb_hbm, xq_hbm, kv, cbrows, sem):
    wid = lax.axis_index("s") * _NC + lax.axis_index("c")
    base = wid * BPW
    pltpu.sync_copy(k_hbm.at[pl.ds(base, BPW)], kv)
    pltpu.async_copy(cb_hbm.at[kv], cbrows, sem).wait()
    pltpu.sync_copy(cbrows, xq_hbm.at[pl.ds(base, BPW)])


@functools.lru_cache(maxsize=1)
def _make_sc_gather():
    return functools.partial(
        pl.kernel,
        out_type=jax.ShapeDtypeStruct((B, D_IN), jnp.float32),
        scratch_types=[
            pltpu.VMEM((BPW,), jnp.int32),
            pltpu.VMEM((BPW, D_IN), jnp.float32),
            pltpu.SemaphoreType.DMA,
        ],
        mesh=plsc.VectorSubcoreMesh(core_axis_name="c", subcore_axis_name="s"),
    )(_sc_body)


def kernel(x, W_enc, b_enc, W_dec_q, b_dec_q, W_dec_e, b_dec_e, embeddings):
    e2d = embeddings.reshape(N_CODES, LATENT)
    x_e, zet, z_dist_flat, k, kcol, cb = _tc_a(
        x, W_enc.T, b_enc, W_dec_q, b_dec_q, W_dec_e, b_dec_e, e2d)
    x_q = _make_sc_gather()(k, cb)
    nbrt, zqt = _tc_b(kcol, e2d)
    z_e = zet.T
    z_q = zqt.T
    z_q_neighbors = jnp.transpose(nbrt, (2, 0, 1))
    return (x_e, x_q, z_e, z_q, z_q_neighbors, k, z_dist_flat)

# --- scband reference (transcript-rebuilt; emitter-appended) ---
"""Pipeline reference for scband-somvae-18382460027423 (READ-ONLY COPY).

The authoritative reference and input builder live on the scoring server;
editing this copy changes nothing except your own understanding.
"""

import jax, jax.numpy as jnp
import numpy as np

B = 1024
D_IN = 512
LATENT = 64
SOM = (32, 32)


def setup_inputs(seed: int = 0) -> dict:
    key = jax.random.key(seed)
    ks = jax.random.split(key, 8)
    x = jax.random.normal(ks[0], (B, D_IN), dtype=jnp.float32)
    W_enc = jax.random.normal(ks[1], (D_IN, LATENT), dtype=jnp.float32) * (1.0 / np.sqrt(D_IN))
    b_enc = jnp.zeros((LATENT,), dtype=jnp.float32)
    W_dec_q = jax.random.normal(ks[2], (LATENT, D_IN), dtype=jnp.float32) * (1.0 / np.sqrt(LATENT))
    b_dec_q = jnp.zeros((D_IN,), dtype=jnp.float32)
    W_dec_e = jax.random.normal(ks[3], (LATENT, D_IN), dtype=jnp.float32) * (1.0 / np.sqrt(LATENT))
    b_dec_e = jnp.zeros((D_IN,), dtype=jnp.float32)
    embeddings = jax.random.normal(ks[4], (SOM[0], SOM[1], LATENT), dtype=jnp.float32) * 0.05
    return {
        "x": x,
        "W_enc": W_enc,
        "b_enc": b_enc,
        "W_dec_q": W_dec_q,
        "b_dec_q": b_dec_q,
        "W_dec_e": W_dec_e,
        "b_dec_e": b_dec_e,
        "embeddings": embeddings,
    }


def reference(x, W_enc, b_enc, W_dec_q, b_dec_q, W_dec_e, b_dec_e, embeddings):
    # encoder: linear
    z_e = x @ W_enc + b_enc
    # pairwise squared distance to SOM codebook
    z_dist = (z_e[:, None, None, :] - embeddings[None, :, :, :]) ** 2
    z_dist_sum = jnp.sum(z_dist, axis=-1)
    z_dist_flat = z_dist_sum.reshape(x.shape[0], -1)
    k = jnp.argmin(z_dist_flat, axis=-1)
    k_1 = k // SOM[1]
    k_2 = k % SOM[1]
    z_q = embeddings[k_1, k_2]
    k1_not_top = k_1 < (SOM[0] - 1)
    k1_not_bottom = k_1 > 0
    k2_not_right = k_2 < (SOM[1] - 1)
    k2_not_left = k_2 > 0
    k1_up = jnp.where(k1_not_top, k_1 + 1, k_1)
    k1_down = jnp.where(k1_not_bottom, k_1 - 1, k_1)
    k2_right = jnp.where(k2_not_right, k_2 + 1, k_2)
    k2_left = jnp.where(k2_not_left, k_2 - 1, k_2)
    z_q_up = jnp.where(k1_not_top[:, None], embeddings[k1_up, k_2], 0.0)
    z_q_down = jnp.where(k1_not_bottom[:, None], embeddings[k1_down, k_2], 0.0)
    # NOTE: the original torch code has `z_q_right[...] == ...` (comparison, not
    # assignment), so z_q_right remains all zeros. Replicated faithfully.
    z_q_right = jnp.zeros_like(z_q)
    _ = embeddings[k_1, k2_right]  # gather happens in torch too, result discarded
    z_q_left = jnp.where(k2_not_left[:, None], embeddings[k_1, k2_left], 0.0)
    z_q_neighbors = jnp.stack([z_q, z_q_up, z_q_down, z_q_right, z_q_left], axis=1)
    x_q = z_q @ W_dec_q + b_dec_q
    x_e = z_e @ W_dec_e + b_dec_e
    return (x_e, x_q, z_e, z_q, z_q_neighbors, k, z_dist_flat)

if __name__ == "__main__":
    import jax
    _d = setup_inputs()
    print(jax.jit(kernel)(*tuple(_d.values())))

</pallas_src>

<mosaic_0001>
#map = affine_map<(d0, d1) -> (0)>
#map1 = affine_map<(d0, d1) -> (0, 0)>
module attributes {stable_mosaic.version = 14 : i64} {
  func.func @_sc_body(%arg0: i32, %arg1: i32, %arg2: memref<1024xi32, #tpu.memory_space<hbm>>, %arg3: memref<1024x512xf32, #tpu.memory_space<hbm>>, %arg4: memref<1024x512xf32, #tpu.memory_space<hbm>>, %arg5: memref<32xi32, #tpu.memory_space<vmem>>, %arg6: memref<32x512xf32, #tpu.memory_space<vmem>>, %arg7: memref<!tpu.dma_semaphore, #tpu.memory_space<semaphore_mem>>) attributes {dimension_semantics = [#tpu.dimension_semantics<core_parallel>, #tpu.dimension_semantics<subcore_parallel>], iteration_bounds = array<i64: 2, 16>, scalar_prefetch = 0 : i64, scratch_operands = 3 : i64, tpu.core_type = #tpu.core_type<sc_vector_subcore>, window_params = [{transform_indices = #map}, {transform_indices = #map1}, {transform_indices = #map1}]} {
    %mul3A = arith.constant 2 : i32
    %mul3A_0 = arith.muli %arg1, %mul3A : i32
    %add3A = arith.addi %mul3A_0, %arg0 : i32
    %mul3A_1 = arith.constant 32 : i32
    %mul3A_2 = arith.muli %add3A, %mul3A_1 : i32
    "tpu.region"() ({
      %run_scoped3A = tpu.sem_alloc : memref<!tpu.dma_semaphore, #tpu.memory_space<semaphore_mem>>
      %dma_start3A_7 = tpu.memref_slice %arg2[%mul3A_2] : memref<1024xi32, #tpu.memory_space<hbm>> -> memref<32xi32, #tpu.memory_space<hbm>>
      %dma_start3A_8 = tpu.memref_slice %arg2[%mul3A_2] : memref<1024xi32, #tpu.memory_space<hbm>> -> memref<32xi32, #tpu.memory_space<hbm>>
      tpu.enqueue_dma source(%dma_start3A_8 : memref<32xi32, #tpu.memory_space<hbm>>) target(%arg5 : memref<32xi32, #tpu.memory_space<vmem>>) target_semaphore(%run_scoped3A : memref<!tpu.dma_semaphore, #tpu.memory_space<semaphore_mem>>)
      %dma_wait3A_9 = tpu.memref_slice %arg2[%mul3A_2] : memref<1024xi32, #tpu.memory_space<hbm>> -> memref<32xi32, #tpu.memory_space<hbm>>
      %dma_wait3A_10 = tpu.memref_slice %arg2[%mul3A_2] : memref<1024xi32, #tpu.memory_space<hbm>> -> memref<32xi32, #tpu.memory_space<hbm>>
      tpu.wait_dma2 semaphore(%run_scoped3A : memref<!tpu.dma_semaphore, #tpu.memory_space<semaphore_mem>>) src(%dma_wait3A_10 : memref<32xi32, #tpu.memory_space<hbm>>) dst(%arg5 : memref<32xi32, #tpu.memory_space<vmem>>)
      tpu.yield
    }) : () -> ()
    %dma_start3A = arith.constant 0 : i32
    %dma_start3A_3 = arith.constant 0 : i32
    %dma_start3A_4 = tpu.memref_slice %arg3[%dma_start3A, %dma_start3A_3] : memref<1024x512xf32, #tpu.memory_space<hbm>> -> memref<1024x512xf32, #tpu.memory_space<hbm>>
    tpu.enqueue_indirect_dma source(%dma_start3A_4 : memref<1024x512xf32, #tpu.memory_space<hbm>>) target(%arg6 : memref<32x512xf32, #tpu.memory_space<vmem>>) offsets(%arg5 : memref<32xi32, #tpu.memory_space<vmem>>) semaphore(%arg7 : memref<!tpu.dma_semaphore, #tpu.memory_space<semaphore_mem>>)
    %dma_wait3A = arith.constant 0 : i32
    %dma_wait3A_5 = arith.constant 0 : i32
    %dma_wait3A_6 = tpu.memref_slice %arg3[%dma_wait3A, %dma_wait3A_5] : memref<1024x512xf32, #tpu.memory_space<hbm>> -> memref<1024x512xf32, #tpu.memory_space<hbm>>
    tpu.wait_indirect_dma semaphore(%arg7 : memref<!tpu.dma_semaphore, #tpu.memory_space<semaphore_mem>>) src(%dma_wait3A_6 : memref<1024x512xf32, #tpu.memory_space<hbm>>) dst(%arg6 : memref<32x512xf32, #tpu.memory_space<vmem>>)
    "tpu.region"() ({
      %run_scoped3A = tpu.sem_alloc : memref<!tpu.dma_semaphore, #tpu.memory_space<semaphore_mem>>
      %dma_start3A_7 = arith.constant 0 : i32
      %dma_start3A_8 = tpu.memref_slice %arg4[%mul3A_2, %dma_start3A_7] : memref<1024x512xf32, #tpu.memory_space<hbm>> -> memref<32x512xf32, #tpu.memory_space<hbm>>
      %dma_start3A_9 = arith.constant 0 : i32
      %dma_start3A_10 = tpu.memref_slice %arg4[%mul3A_2, %dma_start3A_9] : memref<1024x512xf32, #tpu.memory_space<hbm>> -> memref<32x512xf32, #tpu.memory_space<hbm>>
      tpu.enqueue_dma source(%arg6 : memref<32x512xf32, #tpu.memory_space<vmem>>) target(%dma_start3A_10 : memref<32x512xf32, #tpu.memory_space<hbm>>) target_semaphore(%run_scoped3A : memref<!tpu.dma_semaphore, #tpu.memory_space<semaphore_mem>>)
      %dma_wait3A_11 = arith.constant 0 : i32
      %dma_wait3A_12 = tpu.memref_slice %arg4[%mul3A_2, %dma_wait3A_11] : memref<1024x512xf32, #tpu.memory_space<hbm>> -> memref<32x512xf32, #tpu.memory_space<hbm>>
      %dma_wait3A_13 = arith.constant 0 : i32
      %dma_wait3A_14 = tpu.memref_slice %arg4[%mul3A_2, %dma_wait3A_13] : memref<1024x512xf32, #tpu.memory_space<hbm>> -> memref<32x512xf32, #tpu.memory_space<hbm>>
      tpu.wait_dma2 semaphore(%run_scoped3A : memref<!tpu.dma_semaphore, #tpu.memory_space<semaphore_mem>>) src(%arg6 : memref<32x512xf32, #tpu.memory_space<vmem>>) dst(%dma_wait3A_14 : memref<32x512xf32, #tpu.memory_space<hbm>>)
      tpu.yield
    }) : () -> ()
    return
  }
}

module attributes {stable_mosaic.version = 14 : i64} {
  func.func @_tc_a_body(%arg0: i32, %arg1: memref<256x512xf32, #tpu.memory_space<vmem>>, %arg2: memref<64x512xf32, #tpu.memory_space<vmem>>, %arg3: memref<64xf32, #tpu.memory_space<vmem>>, %arg4: memref<64x512xf32, #tpu.memory_space<vmem>>, %arg5: memref<512xf32, #tpu.memory_space<vmem>>, %arg6: memref<64x512xf32, #tpu.memory_space<vmem>>, %arg7: memref<512xf32, #tpu.memory_space<vmem>>, %arg8: memref<1024x64xf32, #tpu.memory_space<vmem>>, %arg9: memref<256x64xf32, #tpu.memory_space<vmem>>, %arg10: memref<256x512xf32, #tpu.memory_space<vmem>>, %arg11: memref<64x256xf32, #tpu.memory_space<vmem>>, %arg12: memref<256x1024xf32, #tpu.memory_space<vmem>>, %arg13: memref<256xi32, #tpu.memory_space<vmem>>, %arg14: memref<256x1xi32, #tpu.memory_space<vmem>>, %arg15: memref<256x512xf32, #tpu.memory_space<vmem>>, %arg16: memref<1x1024xf32, #tpu.memory_space<vmem>>) attributes {dimension_semantics = [#tpu.dimension_semantics<arbitrary>], iteration_bounds = array<i64: 4>, scalar_prefetch = 0 : i64, scratch_operands = 1 : i64, tpu.core_type = #tpu.core_type<tc>, window_params = [{transform_indices = @transform_0, window_bounds = array<i64: 256, 512>}, {pipeline_mode = #tpu.pipeline_mode<synchronous>, transform_indices = @transform_1, window_bounds = array<i64: 64, 512>}, {pipeline_mode = #tpu.pipeline_mode<synchronous>, transform_indices = @transform_2, window_bounds = array<i64: 64>}, {pipeline_mode = #tpu.pipeline_mode<synchronous>, transform_indices = @transform_3, window_bounds = array<i64: 64, 512>}, {pipeline_mode = #tpu.pipeline_mode<synchronous>, transform_indices = @transform_4, window_bounds = array<i64: 512>}, {pipeline_mode = #tpu.pipeline_mode<synchronous>, transform_indices = @transform_5, window_bounds = array<i64: 64, 512>}, {pipeline_mode = #tpu.pipeline_mode<synchronous>, transform_indices = @transform_6, window_bounds = array<i64: 512>}, {pipeline_mode = #tpu.pipeline_mode<synchronous>, transform_indices = @transform_7, window_bounds = array<i64: 1024, 64>}, {transform_indices = @transform_8, window_bounds = array<i64: 256, 64>}, {transform_indices = @transform_9, window_bounds = array<i64: 256, 512>}, {transform_indices = @transform_10, window_bounds = array<i64: 64, 256>}, {transform_indices = @transform_11, window_bounds = array<i64: 256, 1024>}, {transform_indices = @transform_12, window_bounds = array<i64: 256>}, {transform_indices = @transform_13, window_bounds = array<i64: 256, 1>}, {transform_indices = @transform_14, window_bounds = array<i64: 256, 512>}]} {
    %get3A = arith.constant 0 : index
    %get3A_0 = arith.constant 0 : index
    %get3A_1 = vector.load %arg1[%get3A, %get3A_0] : memref<256x512xf32, #tpu.memory_space<vmem>>, vector<256x512xf32>
    %get3A_2 = arith.constant 0 : index
    %get3A_3 = arith.constant 0 : index
    %get3A_4 = vector.load %arg2[%get3A_2, %get3A_3] : memref<64x512xf32, #tpu.memory_space<vmem>>, vector<64x512xf32>
    %get3A_5 = arith.constant 0 : index
    %get3A_6 = arith.constant 0 : index
    %get3A_7 = vector.load %arg8[%get3A_5, %get3A_6] : memref<1024x64xf32, #tpu.memory_space<vmem>>, vector<1024x64xf32>
    %eq3A = arith.constant 0 : i32
    %eq3A_8 = arith.cmpi eq, %arg0, %eq3A : i32
    %convert_element_type3A = arith.extui %eq3A_8 : i1 to i32
    %cond3A = arith.constant 0 : i32
    %cond3A_9 = arith.cmpi ne, %convert_element_type3A, %cond3A : i32
    scf.if %cond3A_9 {
      %broadcast_in_dim3A_83 = arith.constant 1.000000e+00 : f32
      %broadcast_in_dim3A_84 = vector.broadcast %broadcast_in_dim3A_83 : f32 to vector<1x64xf32>
      %mul3A_85 = arith.mulf %get3A_7, %get3A_7 : vector<1024x64xf32>
      %dot_general3A_86 = arith.constant dense<0.000000e+00> : vector<1x1024xf32>
      %dot_general3A_87 = tpu.matmul %broadcast_in_dim3A_84, %mul3A_85, %dot_general3A_86 {dimension_numbers = #tpu.dot_dimension_numbers<[1], [1], [0], [0], [0, 0, 1, 0], [], []>, precision = #tpu.contract_precision<fp32>, transpose_lhs_hint = false} : vector<1x64xf32>, vector<1024x64xf32>, vector<1x1024xf32> -> vector<1x1024xf32>
      %swap3A_88 = arith.constant 0 : index
      %swap3A_89 = arith.constant 0 : index
      %swap3A_90 = vector.load %arg16[%swap3A_88, %swap3A_89] : memref<1x1024xf32, #tpu.memory_space<vmem>>, vector<1x1024xf32>
      tpu.vector_store %arg16[%swap3A_88, %swap3A_89], %dot_general3A_87 {strides = array<i32>} : memref<1x1024xf32, #tpu.memory_space<vmem>>, vector<1x1024xf32>,
    } else {
    }
    %dot_general3A = arith.constant dense<0.000000e+00> : vector<256x64xf32>
    %dot_general3A_10 = tpu.matmul %get3A_1, %get3A_4, %dot_general3A {dimension_numbers = #tpu.dot_dimension_numbers<[1], [1], [0], [0], [0, 0, 1, 0], [], []>, transpose_lhs_hint = false} : vector<256x512xf32>, vector<64x512xf32>, vector<256x64xf32> -> vector<256x64xf32>
    %get3A_11 = arith.constant 0 : index
    %get3A_12 = vector.load %arg3[%get3A_11] : memref<64xf32, #tpu.memory_space<vmem>>, vector<64xf32>
    %broadcast_in_dim3A = vector.shape_cast %get3A_12 : vector<64xf32> to vector<1x64xf32>
    %add3A = vector.broadcast %broadcast_in_dim3A : vector<1x64xf32> to vector<256x64xf32>
    %add3A_13 = arith.addf %dot_general3A_10, %add3A : vector<256x64xf32>
    %dot_general3A_14 = arith.constant dense<0.000000e+00> : vector<64x256xf32>
    %dot_general3A_15 = tpu.matmul %get3A_4, %get3A_1, %dot_general3A_14 {dimension_numbers = #tpu.dot_dimension_numbers<[1], [1], [0], [0], [0, 0, 1, 0], [], []>, transpose_lhs_hint = false} : vector<64x512xf32>, vector<256x512xf32>, vector<64x256xf32> -> vector<64x256xf32>
    %get3A_16 = arith.constant 0 : index
    %get3A_17 = vector.load %arg3[%get3A_16] : memref<64xf32, #tpu.memory_space<vmem>>, vector<64xf32>
    %broadcast_in_dim3A_18 = vector.shape_cast %get3A_17 : vector<64xf32> to vector<64x1xf32>
    %add3A_19 = vector.broadcast %broadcast_in_dim3A_18 : vector<64x1xf32> to vector<64x256xf32>
    %add3A_20 = arith.addf %dot_general3A_15, %add3A_19 : vector<64x256xf32>
    %swap3A = arith.constant 0 : index
    %swap3A_21 = arith.constant 0 : index
    %swap3A_22 = vector.load %arg11[%swap3A, %swap3A_21] : memref<64x256xf32, #tpu.memory_space<vmem>>, vector<64x256xf32>
    tpu.vector_store %arg11[%swap3A, %swap3A_21], %add3A_20 {strides = array<i32>} : memref<64x256xf32, #tpu.memory_space<vmem>>, vector<64x256xf32>,
    %get3A_23 = arith.constant 0 : index
    %get3A_24 = arith.constant 0 : index
    %get3A_25 = vector.load %arg6[%get3A_23, %get3A_24] : memref<64x512xf32, #tpu.memory_space<vmem>>, vector<64x512xf32>
    %dot_general3A_26 = arith.constant dense<0.000000e+00> : vector<256x512xf32>
    %dot_general3A_27 = tpu.matmul %add3A_13, %get3A_25, %dot_general3A_26 {dimension_numbers = #tpu.dot_dimension_numbers<[1], [0], [0], [1], [0, 0, 1, 1], [], []>, transpose_lhs_hint = false} : vector<256x64xf32>, vector<64x512xf32>, vector<256x512xf32> -> vector<256x512xf32>
    %get3A_28 = arith.constant 0 : index
    %get3A_29 = vector.load %arg7[%get3A_28] : memref<512xf32, #tpu.memory_space<vmem>>, vector<512xf32>
    %broadcast_in_dim3A_30 = vector.shape_cast %get3A_29 : vector<512xf32> to vector<1x512xf32>
    %add3A_31 = vector.broadcast %broadcast_in_dim3A_30 : vector<1x512xf32> to vector<256x512xf32>
    %add3A_32 = arith.addf %dot_general3A_27, %add3A_31 : vector<256x512xf32>
    %swap3A_33 = arith.constant 0 : index
    %swap3A_34 = arith.constant 0 : index
    %swap3A_35 = vector.load %arg10[%swap3A_33, %swap3A_34] : memref<256x512xf32, #tpu.memory_space<vmem>>, vector<256x512xf32>
    tpu.vector_store %arg10[%swap3A_33, %swap3A_34], %add3A_32 {strides = array<i32>} : memref<256x512xf32, #tpu.memory_space<vmem>>, vector<256x512xf32>,
    %get3A_36 = arith.constant 0 : index
    %get3A_37 = arith.constant 0 : index
    %get3A_38 = vector.load %arg9[%get3A_36, %get3A_37] : memref<256x64xf32, #tpu.memory_space<vmem>>, vector<256x64xf32>
    %get3A_39 = arith.constant 0 : index
    %get3A_40 = arith.constant 0 : index
    %get3A_41 = vector.load %arg4[%get3A_39, %get3A_40] : memref<64x512xf32, #tpu.memory_space<vmem>>, vector<64x512xf32>
    %dot_general3A_42 = arith.constant dense<0.000000e+00> : vector<256x512xf32>
    %dot_general3A_43 = tpu.matmul %get3A_38, %get3A_41, %dot_general3A_42 {dimension_numbers = #tpu.dot_dimension_numbers<[1], [0], [0], [1], [0, 0, 1, 1], [], []>, transpose_lhs_hint = false} : vector<256x64xf32>, vector<64x512xf32>, vector<256x512xf32> -> vector<256x512xf32>
    %get3A_44 = arith.constant 0 : index
    %get3A_45 = vector.load %arg5[%get3A_44] : memref<512xf32, #tpu.memory_space<vmem>>, vector<512xf32>
    %broadcast_in_dim3A_46 = vector.shape_cast %get3A_45 : vector<512xf32> to vector<1x512xf32>
    %add3A_47 = vector.broadcast %broadcast_in_dim3A_46 : vector<1x512xf32> to vector<256x512xf32>
    %add3A_48 = arith.addf %dot_general3A_43, %add3A_47 : vector<256x512xf32>
    %swap3A_49 = arith.constant 0 : index
    %swap3A_50 = arith.constant 0 : index
    %swap3A_51 = vector.load %arg15[%swap3A_49, %swap3A_50] : memref<256x512xf32, #tpu.memory_space<vmem>>, vector<256x512xf32>
    tpu.vector_store %arg15[%swap3A_49, %swap3A_50], %add3A_48 {strides = array<i32>} : memref<256x512xf32, #tpu.memory_space<vmem>>, vector<256x512xf32>,
    %dot_general3A_52 = arith.constant dense<0.000000e+00> : vector<256x1024xf32>
    %dot_general3A_53 = tpu.matmul %add3A_13, %get3A_7, %dot_general3A_52 {dimension_numbers = #tpu.dot_dimension_numbers<[1], [1], [0], [0], [0, 0, 1, 0], [], []>, precision = #tpu.contract_precision<fp32>, transpose_lhs_hint = false} : vector<256x64xf32>, vector<1024x64xf32>, vector<256x1024xf32> -> vector<256x1024xf32>
    %get3A_54 = arith.constant 0 : index
    %get3A_55 = arith.constant 0 : index
    %get3A_56 = vector.load %arg16[%get3A_54, %get3A_55] : memref<1x1024xf32, #tpu.memory_space<vmem>>, vector<1x1024xf32>
    %mul3A = arith.constant 2.000000e+00 : f32
    %mul3A_57 = vector.broadcast %mul3A : f32 to vector<256x1024xf32>
    %mul3A_58 = arith.mulf %mul3A_57, %dot_general3A_53 : vector<256x1024xf32>
    %sub3A = vector.broadcast %get3A_56 : vector<1x1024xf32> to vector<256x1024xf32>
    %sub3A_59 = arith.subf %sub3A, %mul3A_58 : vector<256x1024xf32>
    %mul3A_60 = arith.mulf %add3A_13, %add3A_13 : vector<256x64xf32>
    %reduce_sum3A = arith.constant dense<0.000000e+00> : vector<256xf32>
    %reduce_sum3A_61 = vector.multi_reduction <add>, %mul3A_60, %reduce_sum3A [1] : vector<256x64xf32> to vector<256xf32>
    %broadcast_in_dim3A_62 = vector.shape_cast %reduce_sum3A_61 : vector<256xf32> to vector<256x1xf32>
    %add3A_63 = vector.broadcast %broadcast_in_dim3A_62 : vector<256x1xf32> to vector<256x1024xf32>
    %add3A_64 = arith.addf %sub3A_59, %add3A_63 : vector<256x1024xf32>
    %swap3A_65 = arith.constant 0 : index
    %swap3A_66 = arith.constant 0 : index
    %swap3A_67 = vector.load %arg12[%swap3A_65, %swap3A_66] : memref<256x1024xf32, #tpu.memory_space<vmem>>, vector<256x1024xf32>
    tpu.vector_store %arg12[%swap3A_65, %swap3A_66], %add3A_64 {strides = array<i32>} : memref<256x1024xf32, #tpu.memory_space<vmem>>, vector<256x1024xf32>,
    %reduce_min3A = arith.constant dense<0x7F800000> : vector<256xf32>
    %reduce_min3A_68 = vector.multi_reduction <minimumf>, %sub3A_59, %reduce_min3A [1] : vector<256x1024xf32> to vector<256xf32>
    %broadcast_in_dim3A_69 = vector.shape_cast %reduce_min3A_68 : vector<256xf32> to vector<256x1xf32>
    %iota3A = tpu.iota {dimensions = array<i32: 1>} : vector<256x1024xi32>
    %eq3A_70 = vector.broadcast %broadcast_in_dim3A_69 : vector<256x1xf32> to vector<256x1024xf32>
    %eq3A_71 = arith.cmpf oeq, %sub3A_59, %eq3A_70 : vector<256x1024xf32>
    %jit3A = arith.constant 1024 : i32
    %broadcast_in_dim3A_72 = vector.broadcast %jit3A : i32 to vector<256x1024xi32>
    %select_n3A = arith.select %eq3A_71, %iota3A, %broadcast_in_dim3A_72 : vector<256x1024xi1>, vector<256x1024xi32>
    %reduce_min3A_73 = arith.constant dense<2147483647> : vector<256xi32>
    %reduce_min3A_74 = vector.multi_reduction <minsi>, %select_n3A, %reduce_min3A_73 [1] : vector<256x1024xi32> to vector<256xi32>
    %broadcast_in_dim3A_75 = vector.shape_cast %reduce_min3A_74 : vector<256xi32> to vector<256x1xi32>
    %swap3A_76 = arith.constant 0 : index
    %swap3A_77 = arith.constant 0 : index
    %swap3A_78 = vector.load %arg14[%swap3A_76, %swap3A_77] : memref<256x1xi32, #tpu.memory_space<vmem>>, vector<256x1xi32>
    tpu.vector_store %arg14[%swap3A_76, %swap3A_77], %broadcast_in_dim3A_75 {strides = array<i32>} : memref<256x1xi32, #tpu.memory_space<vmem>>, vector<256x1xi32>,
    %reduce_min3A_79 = arith.constant dense<2147483647> : vector<256xi32>
    %reduce_min3A_80 = vector.multi_reduction <minsi>, %select_n3A, %reduce_min3A_79 [1] : vector<256x1024xi32> to vector<256xi32>
    %swap3A_81 = arith.constant 0 : index
    %swap3A_82 = vector.load %arg13[%swap3A_81] : memref<256xi32, #tpu.memory_space<vmem>>, vector<256xi32>
    tpu.vector_store %arg13[%swap3A_81], %reduce_min3A_80 {strides = array<i32>} : memref<256xi32, #tpu.memory_space<vmem>>, vector<256xi32>,
    return
  }
  func.func @transform_0(%arg0: i32) -> (i32, i32) {
    %c0_i32 = arith.constant 0 : i32
    %c0_i32_0 = arith.constant 0 : i32
    return %arg0, %c0_i32 : i32, i32
  }
  func.func @transform_1(%arg0: i32) -> (i32, i32) {
    %c0_i32 = arith.constant 0 : i32
    %c0_i32_0 = arith.constant 0 : i32
    %c0_i32_1 = arith.constant 0 : i32
    return %c0_i32, %c0_i32_0 : i32, i32
  }
  func.func @transform_2(%arg0: i32) -> i32 {
    %c0_i32 = arith.constant 0 : i32
    %c0_i32_0 = arith.constant 0 : i32
    return %c0_i32 : i32
  }
  func.func @transform_3(%arg0: i32) -> (i32, i32) {
    %c0_i32 = arith.constant 0 : i32
    %c0_i32_0 = arith.constant 0 : i32
    %c0_i32_1 = arith.constant 0 : i32
    return %c0_i32, %c0_i32_0 : i32, i32
  }
  func.func @transform_4(%arg0: i32) -> i32 {
    %c0_i32 = arith.constant 0 : i32
    %c0_i32_0 = arith.constant 0 : i32
    return %c0_i32 : i32
  }
  func.func @transform_5(%arg0: i32) -> (i32, i32) {
    %c0_i32 = arith.constant 0 : i32
    %c0_i32_0 = arith.constant 0 : i32
    %c0_i32_1 = arith.constant 0 : i32
    return %c0_i32, %c0_i32_0 : i32, i32
  }
  func.func @transform_6(%arg0: i32) -> i32 {
    %c0_i32 = arith.constant 0 : i32
    %c0_i32_0 = arith.constant 0 : i32
    return %c0_i32 : i32
  }
  func.func @transform_7(%arg0: i32) -> (i32, i32) {
    %c0_i32 = arith.constant 0 : i32
    %c0_i32_0 = arith.constant 0 : i32
    %c0_i32_1 = arith.constant 0 : i32
    return %c0_i32, %c0_i32_0 : i32, i32
  }
  func.func @transform_8(%arg0: i32) -> (i32, i32) {
    %c0_i32 = arith.constant 0 : i32
    %c0_i32_0 = arith.constant 0 : i32
    return %arg0, %c0_i32 : i32, i32
  }
  func.func @transform_9(%arg0: i32) -> (i32, i32) {
    %c0_i32 = arith.constant 0 : i32
    %c0_i32_0 = arith.constant 0 : i32
    return %arg0, %c0_i32 : i32, i32
  }
  func.func @transform_10(%arg0: i32) -> (i32, i32) {
    %c0_i32 = arith.constant 0 : i32
    %c0_i32_0 = arith.constant 0 : i32
    return %c0_i32, %arg0 : i32, i32
  }
  func.func @transform_11(%arg0: i32) -> (i32, i32) {
    %c0_i32 = arith.constant 0 : i32
    %c0_i32_0 = arith.constant 0 : i32
    return %arg0, %c0_i32 : i32, i32
  }
  func.func @transform_12(%arg0: i32) -> i32 {
    %c0_i32 = arith.constant 0 : i32
    return %arg0 : i32
  }
  func.func @transform_13(%arg0: i32) -> (i32, i32) {
    %c0_i32 = arith.constant 0 : i32
    %c0_i32_0 = arith.constant 0 : i32
    return %arg0, %c0_i32 : i32, i32
  }
  func.func @transform_14(%arg0: i32) -> (i32, i32) {
    %c0_i32 = arith.constant 0 : i32
    %c0_i32_0 = arith.constant 0 : i32
    return %arg0, %c0_i32 : i32, i32
  }
}

module attributes {stable_mosaic.version = 14 : i64} {
  func.func @_tc_b_body(%arg0: memref<1024x1xi32, #tpu.memory_space<vmem>>, %arg1: memref<1024x64xf32, #tpu.memory_space<vmem>>, %arg2: memref<5x64x1024xf32, #tpu.memory_space<vmem>>, %arg3: memref<64x1024xf32, #tpu.memory_space<vmem>>) attributes {dimension_semantics = [], scalar_prefetch = 0 : i64, scratch_operands = 0 : i64, tpu.core_type = #tpu.core_type<tc>} {
    %get3A = arith.constant 0 : index
    %get3A_0 = arith.constant 0 : index
    %get3A_1 = vector.load %arg1[%get3A, %get3A_0] : memref<1024x64xf32, #tpu.memory_space<vmem>>, vector<1024x64xf32>
    %broadcast_in_dim3A = arith.constant 0.000000e+00 : f32
    %broadcast_in_dim3A_2 = vector.broadcast %broadcast_in_dim3A : f32 to vector<32x64xf32>
    %slice3A = vector.extract_strided_slice %get3A_1 {offsets = [32, 0], sizes = [992, 64], strides = [1, 1]} : vector<1024x64xf32> to vector<992x64xf32>
    %concatenate3A = tpu.concatenate %slice3A, %broadcast_in_dim3A_2 in 0 : vector<992x64xf32>, vector<32x64xf32> -> vector<1024x64xf32>
    %slice3A_3 = vector.extract_strided_slice %get3A_1 {offsets = [0, 0], sizes = [992, 64], strides = [1, 1]} : vector<1024x64xf32> to vector<992x64xf32>
    %concatenate3A_4 = tpu.concatenate %broadcast_in_dim3A_2, %slice3A_3 in 0 : vector<32x64xf32>, vector<992x64xf32> -> vector<1024x64xf32>
    %broadcast_in_dim3A_5 = arith.constant 0.000000e+00 : f32
    %broadcast_in_dim3A_6 = vector.broadcast %broadcast_in_dim3A_5 : f32 to vector<1x64xf32>
    %slice3A_7 = vector.extract_strided_slice %get3A_1 {offsets = [0, 0], sizes = [1023, 64], strides = [1, 1]} : vector<1024x64xf32> to vector<1023x64xf32>
    %concatenate3A_8 = tpu.concatenate %broadcast_in_dim3A_6, %slice3A_7 in 0 : vector<1x64xf32>, vector<1023x64xf32> -> vector<1024x64xf32>
    %iota3A = tpu.iota {dimensions = array<i32: 0>} : vector<1024x1xi32>
    %and3A = arith.constant 31 : i32
    %and3A_9 = vector.broadcast %and3A : i32 to vector<1024x1xi32>
    %and3A_10 = arith.andi %iota3A, %and3A_9 : vector<1024x1xi32>
    %ne3A = arith.constant 0 : i32
    %ne3A_11 = vector.broadcast %ne3A : i32 to vector<1024x1xi32>
    %ne3A_12 = arith.cmpi ne, %and3A_10, %ne3A_11 : vector<1024x1xi32>
    %jit3A = arith.constant 0.000000e+00 : f32
    %broadcast_in_dim3A_13 = vector.shape_cast %ne3A_12 : vector<1024x1xi1> to vector<1024x1xi1>
    %broadcast_in_dim3A_14 = vector.broadcast %broadcast_in_dim3A_13 : vector<1024x1xi1> to vector<1024x64xi1>
    %broadcast_in_dim3A_15 = vector.broadcast %jit3A : f32 to vector<1024x64xf32>
    %select_n3A = arith.select %broadcast_in_dim3A_14, %concatenate3A_8, %broadcast_in_dim3A_15 : vector<1024x64xi1>, vector<1024x64xf32>
    %concatenate3A_16 = tpu.concatenate %get3A_1, %concatenate3A, %concatenate3A_4, %select_n3A in 1 : vector<1024x64xf32>, vector<1024x64xf32>, vector<1024x64xf32>, vector<1024x64xf32> -> vector<1024x256xf32>
    %get3A_17 = arith.constant 0 : index
    %get3A_18 = arith.constant 0 : index
    %get3A_19 = vector.load %arg0[%get3A_17, %get3A_18] : memref<1024x1xi32, #tpu.memory_space<vmem>>, vector<1024x1xi32>
    %iota3A_20 = tpu.iota {dimensions = array<i32: 1>} : vector<1024x1024xi32>
    %eq3A = vector.broadcast %get3A_19 : vector<1024x1xi32> to vector<1024x1024xi32>
    %eq3A_21 = arith.cmpi eq, %iota3A_20, %eq3A : vector<1024x1024xi32>
    %convert_element_type3A = arith.extui %eq3A_21 : vector<1024x1024xi1> to vector<1024x1024xi32>
    %convert_element_type3A_22 = arith.sitofp %convert_element_type3A : vector<1024x1024xi32> to vector<1024x1024xf32>
    %dot_general3A = arith.constant dense<0.000000e+00> : vector<1024x256xf32>
    %dot_general3A_23 = tpu.matmul %convert_element_type3A_22, %concatenate3A_16, %dot_general3A {dimension_numbers = #tpu.dot_dimension_numbers<[1], [0], [0], [1], [0, 0, 1, 1], [], []>, precision = #tpu.contract_precision<fp32>, transpose_lhs_hint = false} : vector<1024x1024xf32>, vector<1024x256xf32>, vector<1024x256xf32> -> vector<1024x256xf32>
    %slice3A_24 = vector.extract_strided_slice %dot_general3A_23 {offsets = [0, 0], sizes = [1024, 64], strides = [1, 1]} : vector<1024x256xf32> to vector<1024x64xf32>
    %transpose3A = tpu.transpose %slice3A_24, [1, 0] : vector<1024x64xf32> -> vector<64x1024xf32>
    %swap3A = arith.constant 0 : index
    %swap3A_25 = arith.constant 0 : index
    %swap3A_26 = arith.constant 0 : index
    %swap3A_27 = vector.load %arg2[%swap3A, %swap3A_25, %swap3A_26] : memref<5x64x1024xf32, #tpu.memory_space<vmem>>, vector<1x64x1024xf32>
    %swap3A_28 = vector.shape_cast %swap3A_27 : vector<1x64x1024xf32> to vector<64x1024xf32>
    %swap3A_29 = vector.shape_cast %transpose3A : vector<64x1024xf32> to vector<1x64x1024xf32>
    tpu.vector_store %arg2[%swap3A, %swap3A_25, %swap3A_26], %swap3A_29 {strides = array<i32>} : memref<5x64x1024xf32, #tpu.memory_space<vmem>>, vector<1x64x1024xf32>,
    %swap3A_30 = arith.constant 0 : index
    %swap3A_31 = arith.constant 0 : index
    %swap3A_32 = vector.load %arg3[%swap3A_30, %swap3A_31] : memref<64x1024xf32, #tpu.memory_space<vmem>>, vector<64x1024xf32>
    tpu.vector_store %arg3[%swap3A_30, %swap3A_31], %transpose3A {strides = array<i32>} : memref<64x1024xf32, #tpu.memory_space<vmem>>, vector<64x1024xf32>,
    %slice3A_33 = vector.extract_strided_slice %dot_general3A_23 {offsets = [0, 64], sizes = [1024, 64], strides = [1, 1]} : vector<1024x256xf32> to vector<1024x64xf32>
    %transpose3A_34 = tpu.transpose %slice3A_33, [1, 0] : vector<1024x64xf32> -> vector<64x1024xf32>
    %swap3A_35 = arith.constant 1 : index
    %swap3A_36 = arith.constant 0 : index
    %swap3A_37 = arith.constant 0 : index
    %swap3A_38 = vector.load %arg2[%swap3A_35, %swap3A_36, %swap3A_37] : memref<5x64x1024xf32, #tpu.memory_space<vmem>>, vector<1x64x1024xf32>
    %swap3A_39 = vector.shape_cast %swap3A_38 : vector<1x64x1024xf32> to vector<64x1024xf32>
    %swap3A_40 = vector.shape_cast %transpose3A_34 : vector<64x1024xf32> to vector<1x64x1024xf32>
    tpu.vector_store %arg2[%swap3A_35, %swap3A_36, %swap3A_37], %swap3A_40 {strides = array<i32>} : memref<5x64x1024xf32, #tpu.memory_space<vmem>>, vector<1x64x1024xf32>,
    %slice3A_41 = vector.extract_strided_slice %dot_general3A_23 {offsets = [0, 128], sizes = [1024, 64], strides = [1, 1]} : vector<1024x256xf32> to vector<1024x64xf32>
    %transpose3A_42 = tpu.transpose %slice3A_41, [1, 0] : vector<1024x64xf32> -> vector<64x1024xf32>
    %swap3A_43 = arith.constant 2 : index
    %swap3A_44 = arith.constant 0 : index
    %swap3A_45 = arith.constant 0 : index
    %swap3A_46 = vector.load %arg2[%swap3A_43, %swap3A_44, %swap3A_45] : memref<5x64x1024xf32, #tpu.memory_space<vmem>>, vector<1x64x1024xf32>
    %swap3A_47 = vector.shape_cast %swap3A_46 : vector<1x64x1024xf32> to vector<64x1024xf32>
    %swap3A_48 = vector.shape_cast %transpose3A_42 : vector<64x1024xf32> to vector<1x64x1024xf32>
    tpu.vector_store %arg2[%swap3A_43, %swap3A_44, %swap3A_45], %swap3A_48 {strides = array<i32>} : memref<5x64x1024xf32, #tpu.memory_space<vmem>>, vector<1x64x1024xf32>,
    %broadcast_in_dim3A_49 = arith.constant 0.000000e+00 : f32
    %broadcast_in_dim3A_50 = vector.broadcast %broadcast_in_dim3A_49 : f32 to vector<64x1024xf32>
    %swap3A_51 = arith.constant 3 : index
    %swap3A_52 = arith.constant 0 : index
    %swap3A_53 = arith.constant 0 : index
    %swap3A_54 = vector.load %arg2[%swap3A_51, %swap3A_52, %swap3A_53] : memref<5x64x1024xf32, #tpu.memory_space<vmem>>, vector<1x64x1024xf32>
    %swap3A_55 = vector.shape_cast %swap3A_54 : vector<1x64x1024xf32> to vector<64x1024xf32>
    %swap3A_56 = vector.shape_cast %broadcast_in_dim3A_50 : vector<64x1024xf32> to vector<1x64x1024xf32>
    tpu.vector_store %arg2[%swap3A_51, %swap3A_52, %swap3A_53], %swap3A_56 {strides = array<i32>} : memref<5x64x1024xf32, #tpu.memory_space<vmem>>, vector<1x64x1024xf32>,
    %slice3A_57 = vector.extract_strided_slice %dot_general3A_23 {offsets = [0, 192], sizes = [1024, 64], strides = [1, 1]} : vector<1024x256xf32> to vector<1024x64xf32>
    %transpose3A_58 = tpu.transpose %slice3A_57, [1, 0] : vector<1024x64xf32> -> vector<64x1024xf32>
    %swap3A_59 = arith.constant 4 : index
    %swap3A_60 = arith.constant 0 : index
    %swap3A_61 = arith.constant 0 : index
    %swap3A_62 = vector.load %arg2[%swap3A_59, %swap3A_60, %swap3A_61] : memref<5x64x1024xf32, #tpu.memory_space<vmem>>, vector<1x64x1024xf32>
    %swap3A_63 = vector.shape_cast %swap3A_62 : vector<1x64x1024xf32> to vector<64x1024xf32>
    %swap3A_64 = vector.shape_cast %transpose3A_58 : vector<64x1024xf32> to vector<1x64x1024xf32>
    tpu.vector_store %arg2[%swap3A_59, %swap3A_60, %swap3A_61], %swap3A_64 {strides = array<i32>} : memref<5x64x1024xf32, #tpu.memory_space<vmem>>, vector<1x64x1024xf32>,
    return
  }
}

</mosaic_0001>

<sc_bundles>
// kernel: kernel.5.cloned.1.call-start
scs
__scs_entry_jumppad:
0x0: {  	(pc) =	sbr.rel $0x88, $3  }
0x1: {  	(tag) =	ssettag $0x0;
	lr =	simm.s32 $0x1  }
0x2: {  	[smem:$0x3F99] =	sst lr;
	_ =	strace $0xD0000000  }
0x3: {  	_ = 	snop  }
0x4: {  	_ = 	snop  }
0x5: {  	_ = 	snop  }
0x6: {  	_ = 	snop  }
0x7: {  	_ = 	snop  }
__scs_overlays_trampoline_lowered:
0x8: {  	[smem:$0x3FA8] =	sst s0  }
0x9: {  	[smem:$0x3FA9] =	sst s1  }
0xa: {  	[smem:$0x3FAA] =	sst s2  }
0xb: {  	[smem:$0x3FAB] =	sst s3  }
0xc: {  	[smem:$0x3FAC] =	sst s4  }
0xd: {  	[smem:$0x3FAD] =	sst s5  }
0xe: {  	[smem:$0x3FAE] =	sst s6  }
0xf: {  	[smem:$0x3FAF] =	sst s7  }
0x10: {  	[smem:$0x3FB0] =	sst s8  }
0x11: {  	[smem:$0x3FB1] =	sst s9;
	s0 =	simm.s32 @!p0 $0x0  }
0x12: {  	s1 =	sld [smem:$0x3F97];
	s0 =	simm.s32 @p0 $0x1  }
0x13: {  	[smem:$0x3FB2] =	sst s0;
	s0 =	simm.s32 @!p1 $0x0  }
0x14: {  	s2 =	sld [smem:$0x3F96];
	s0 =	simm.s32 @p1 $0x1  }
0x15: {  	[smem:$0x3FB3] =	sst s0;
	s0 =	simm.s32 @!p2 $0x0  }
0x16: {  	s3 =	sld [smem:$0x3FDB];
	s0 =	simm.s32 @p2 $0x1  }
0x17: {  	s4 =	simm.s32 $0x1BF5;
	[smem:$0x3FB5] =	sst s0  }
0x18: {  	s0 =	sld [smem:$0x3F98];
	_ =	swait.ge [sflag:s4], $0x0  }
0x19: {  	s7 =	sld [smem:$0x3F99]  }
0x1a: {  	s8 =	sadd.s32 $0xFFFFE003, lr  }
0x1b: {  	s9 =	sadd.s32 $0xFFFFFEF7, lr;
	s5 =	simm.s32 $0xFFFFFFFF;
	p2 =	slt.u32 s8, $0xFFFFF086  }
0x1c: {  	p1 =	slt.u32 s9, $0xF7A;
	s5 =	simm.s32 @!p2 $0x0  }
0x1d: {  	s5 =	simm.s32 @p1 $0x1;
	p0 =	seq.s32 s7, s2  }
0x1e: {  	s7 =	smul.u32 @!p0 $0xF7A, s2;
	p2 =	seq.s32 @!p0 s5, $0x0  }
0x1f: {  	s9 =	smul.u32 $0xF7A, s1;
	s8 =	simm.s32 @!p0 $0x1BF5;
	p2 =	por !p2, p0  }
0x20: {  	[sflag:s8] =	ssyncset.s32 @!p0 $0xFFFFF086;
	s6 =	sadd.s32 @!p0 s3, s7;
	s7 =	simm.s32 @!p0 $0x108  }
0x21: {  	s3 =	sadd.s32 s3, s9;
	s6 =	sadd.s32 @!p0 $0x88, s6;
	s7 =	simm.s32 @p2 $0x1082  }
0x22: {  	[simem:s7], [sflag:s8] =	dma.local @!p0 [hbm:s6], $0xF7A  }
0x23: {  	s9 =	sor.u32 $0xD0000000, s2;
	s6 =	simm.s32 $0x108;
	_ =	swait.ge @!p0 [sflag:s8], $0x0  }
0x24: {  	s3 =	sadd.s32 $0x88, s3;
	s6 =	simm.s32 @!p1 $0x1082;
	[sflag:s4] =	ssyncset.s32 $0xFFFFF086  }
0x25: {  	[simem:s6], [sflag:s4] =	dma.local [hbm:s3], $0xF7A  }
0x26: {  	[smem:$0x3F99] =	sst s1;
	(tag) =	ssettag s2;
	_ =	strace s9  }
0x27: {  	s1 =	sld [smem:$0x3FA9]  }
0x28: {  	s2 =	sld [smem:$0x3FAA]  }
0x29: {  	s4 =	sld [smem:$0x3FAC]  }
0x2a: {  	p0 =	seq.s32 s5, $0x0;
	s5 =	sld [smem:$0x3FAD]  }
0x2b: {  	s6 =	sld [smem:$0x3FAE]  }
0x2c: {  	s7 =	sld [smem:$0x3FAF]  }
0x2d: {  	s3 =	simm.s32 $0x108;
	s8 =	sld [smem:$0x3FB0]  }
0x2e: {  	s3 =	simm.s32 @!p0 $0x1082;
	s9 =	sld [smem:$0x3FB1]  }
0x2f: {  	lr =	sadd.s32 s0, s3;
	s0 =	sld [smem:$0x3FA8]  }
0x30: {  	s3 =	sld [smem:$0x3FAB]  }
0x31: {  	[smem:$0x3FB4] =	sst s10  }
0x32: {  	s10 =	sld [smem:$0x3FB2];
	_ =	sdelay $0x3  }
0x33: {  	p0 =	seq.s32 s10, $0x1;
	s10 =	sld [smem:$0x3FB4];
	_ =	sdelay $0x3  }
0x34: {  	[smem:$0x3FB4] =	sst s10  }
0x35: {  	s10 =	sld [smem:$0x3FB3];
	_ =	sdelay $0x3  }
0x36: {  	p1 =	seq.s32 s10, $0x1;
	s10 =	sld [smem:$0x3FB4];
	_ =	sdelay $0x3  }
0x37: {  	[smem:$0x3FB4] =	sst s10  }
0x38: {  	s10 =	sld [smem:$0x3FB5]  }
0x39: {  	_ = 	snop;
	(pc) =	sbr.ind lr, $3  }
0x3a: {  	_ = 	snop  }
0x3b: {  	_ = 	snop  }
0x3c: {  	p2 =	seq.s32 s10, $0x1;
	s10 =	sld [smem:$0x3FB4]  }
0x3d: {  	_ =	shalt  }
0x3e: {  	_ =	shalt  }
0x3f: {  	_ =	shalt  }
0x40: {  	_ =	shalt  }
0x41: {  	_ =	shalt  }
0x42: {  	_ =	shalt  }
0x43: {  	_ =	shalt  }
0x44: {  	_ =	shalt  }
0x45: {  	_ =	shalt  }
0x46: {  	_ =	shalt  }
0x47: {  	_ =	shalt  }
0x48: {  	_ =	shalt  }
0x49: {  	_ =	shalt  }
0x4a: {  	_ =	shalt  }
0x4b: {  	_ =	shalt  }
0x4c: {  	_ =	shalt  }
0x4d: {  	_ =	shalt  }
0x4e: {  	_ =	shalt  }
0x4f: {  	_ =	shalt  }
0x50: {  	_ =	shalt  }
0x51: {  	_ =	shalt  }
0x52: {  	_ =	shalt  }
0x53: {  	_ =	shalt  }
0x54: {  	_ =	shalt  }
0x55: {  	_ =	shalt  }
0x56: {  	_ =	shalt  }
0x57: {  	_ =	shalt  }
0x58: {  	_ =	shalt  }
0x59: {  	_ =	shalt  }
0x5a: {  	_ =	shalt  }
0x5b: {  	_ =	shalt  }
0x5c: {  	_ =	shalt  }
0x5d: {  	_ =	shalt  }
0x5e: {  	_ =	shalt  }
0x5f: {  	_ =	shalt  }
0x60: {  	_ =	shalt  }
0x61: {  	_ =	shalt  }
0x62: {  	_ =	shalt  }
0x63: {  	_ =	shalt  }
0x64: {  	_ =	shalt  }
0x65: {  	_ =	shalt  }
0x66: {  	_ =	shalt  }
0x67: {  	_ =	shalt  }
0x68: {  	_ =	shalt  }
0x69: {  	_ =	shalt  }
0x6a: {  	_ =	shalt  }
0x6b: {  	_ =	shalt  }
0x6c: {  	_ =	shalt  }
0x6d: {  	_ =	shalt  }
0x6e: {  	_ =	shalt  }
0x6f: {  	_ =	shalt  }
0x70: {  	_ =	shalt  }
0x71: {  	_ =	shalt  }
0x72: {  	_ =	shalt  }
0x73: {  	_ =	shalt  }
0x74: {  	_ =	shalt  }
0x75: {  	_ =	shalt  }
0x76: {  	_ =	shalt  }
0x77: {  	_ =	shalt  }
0x78: {  	_ =	shalt  }
0x79: {  	_ =	shalt  }
0x7a: {  	_ =	shalt  }
0x7b: {  	_ =	shalt  }
0x7c: {  	_ =	shalt  }
0x7d: {  	_ =	shalt  }
0x7e: {  	_ =	shalt  }
0x7f: {  	_ =	shalt  }
0x80: {  	_ =	shalt  }
0x81: {  	_ =	shalt  }
0x82: {  	_ =	shalt  }
0x83: {  	_ =	shalt  }
0x84: {  	_ =	shalt  }
0x85: {  	_ =	shalt  }
0x86: {  	_ =	shalt  }
0x87: {  	_ =	shalt  }
.Lfunc_end0:
.L_simem_size_0:
called_computation_lowered:
.L_overlay_start_0:
0x88: {  	s2 =	sld [smem:$0x3FD9]  }
0x89: {  	s3 =	sld [smem:$0x3FFE];
	_ =	sdelay $0x1  }
0x8a: {  	s1 =	srdreg.scid  }
0x8b: {  	s0 =	sand.u32 $0x1, s1  }
0x8c: {  	s14 =	sshll.u32 s0, $0xA;
	s2 =	sadd.s32 s3, s2  }
0x8d: {  	s2 =	sadd.s32 s2, s14  }
0x8e: {  	[smem:$0x3FC0] =	sst s2  }
0x8f: {  	_ = 	snop  }
0x90: {  	s2 =	sld [smem:$0x3FD0];
	_ =	sdelay $0x2  }
0x91: {  	s15 =	simm.s32 $0xA;
	s4 =	simm.s32 $0x10  }
0x92: {  	[smem:s4], [sflag:s15] =	dma.local [hbm:s2], $0x1  }
0x93: {  	_ =	swait.eq [sflag:s15], $0x1  }
0x94: {  	[sflag:s15] =	ssyncset.done $0x0  }
0x95: {  	s16 =	sld [smem:$0x11];
	[sflag:s15] =	ssyncadd.s32 $0xFFFFFFFF  }
0x96: {  	s17 =	sld [smem:$0x15];
	(tm) =	ssettm $0x1  }
0x97: {  	s18 =	sld [smem:$0x3FFB];
	_ =	sdelay $0x3  }
0x98: {  	_ =	strace s18  }
0x99: {  	s4 =	sld [smem:$0x3FFC];
	_ =	sdelay $0x3  }
0x9a: {  	_ =	strace s4  }
0x9b: {  	s4 =	sld [smem:$0x3FFD];
	_ =	sdelay $0x3  }
0x9c: {  	_ =	strace s4  }
0x9d: {  	_ =	strace $0x8FFFFFFF  }
0x9e: {  	s19 =	sld [smem:$0x3FDB];
	_ =	sdelay $0x1  }
0x9f: {  	s5 =	simm.s32 $_scs_section_size  }
0xa0: {  	s6 =	simm.s32 $_size__tile_overlayer_lowered;
	s7 =	simm.s32 $_tile_overlayer_lowered  }
0xa1: {  	s22 =	simm.s32 $0x1BFF;
	s21 =	sshll.u32 s7, $0x1;
	s4 =	sadd.s32 s5, s19  }
0xa2: {  	s8 =	simm.s32 $0x0;
	s20 =	sshll.u32 s6, $0x1;
	s6 =	sadd.s32 s21, s4  }
0xa3: {  	[timem:s8], [sflag:s22] =	dma.local [hbm:s6], s20  }
0xa4: {  	_ =	swait.ge [sflag:s22], s20  }
0xa5: {  	s5 =	ssub.s32 $0x0, s20;
	[sflag:s22] =	ssyncset.done $0x0  }
0xa6: {  	[sflag:s22] =	ssyncadd.s32 s5;
	_ =	sdelay $0x1  }
0xa7: {  	s23 =	simm.s32 $0x1B8B  }
0xa8: {  	_ =	swait.ge [sflag:s23], $0x1  }
0xa9: {  	[sflag:s23] =	ssyncset.done $0x0  }
0xaa: {  	s25 =	simm.s32 $0x1B8E;
	s24 =	sld [smem:$0x3FFE];
	[sflag:s23] =	ssyncadd.s32 $0xFFFFFFFF  }
0xab: {  	s26 =	simm.s32 $execute0_lowered;
	[smem:$0x3FD2] =	sst s25  }
0xac: {  	s6 =	sshll.u32 s26, $0x1;
	_ =	strace $0x80000046;
	[dreg:$0x1] =	wrdreg $0xFFFFFFFF  }
0xad: {  	s28 =	simm.s32 $_size_execute0_lowered;
	s4 =	sadd.s32 s4, s6;
	[dreg:$0x0] =	wrdreg $0x0  }
0xae: {  	s6 =	sshll.u32 s28, $0x1;
	[dreg:$0x2] =	wrdreg s4  }
0xaf: {  	[dreg:$0x3] =	wrdreg s6  }
0xb0: {  	[dreg:$0x4] =	wrdreg $0xC0  }
0xb1: {  	_ =	task [dreg:s8], $0x5FFFF  }
0xb2: {  	[dreg:$0x1] =	wrdreg $0xFFFFFFFF  }
0xb3: {  	[dreg:$0x0] =	wrdreg $0x60  }
0xb4: {  	[dreg:$0x2] =	wrdreg s17  }
0xb5: {  	[dreg:$0x3] =	wrdreg s24  }
0xb6: {  	[dreg:$0x4] =	wrdreg s16  }
0xb7: {  	[dreg:$0x5] =	wrdreg $0x9  }
0xb8: {  	_ =	task.clear_ibuf [dreg:s8], $0x6FFFF;
	_ =	strace $0x90000046  }
0xb9: {  	s29 =	simm.s32 $0x9;
	_ =	strace $0x80000048  }
0xba: {  	_ =	swait.ge [sflag:s29], $0x1  }
0xbb: {  	[sflag:s29] =	ssyncadd.s32 $0xFFFFFFFF  }
0xbc: {  	_ =	strace $0x90000048  }
0xbd: {  	_ =	sfence  }
0xbe: {  	s30 =	sld [smem:$0x0];
	_ =	sdelay $0x2  }
0xbf: {  	s31 =	sshll.u32 s1, $0xD;
	s1 =	sshrl.u32 s1, $0x2  }
0xc0: {  	s3 =	sand.u32 $0x4000, s31;
	s1 =	sadd.s32 s1, s30  }
0xc1: {  	s0 =	sor.u32 s3, s0;
	s1 =	sshll.u32 s1, $0x11  }
0xc2: {  	s0 =	sor.u32 s1, s0  }
0xc3: {  	s0 =	sadd.s32 $0x8F2B, s0  }
0xc4: {  	[sflag:s0] =	ssyncadd.remote.s32 $0x1  }
0xc5: {  	_ =	sfence.sel $0xFFFF  }
0xc6: {  	[dreg:$0x0] =	wrdreg $0xFFFFFFFF;
	(pc) =	sbr.abs _section_cstart, $3  }
0xc7: {  	[dreg:$0x1] =	wrdreg $0xFFFFFFFF  }
0xc8: {  	_ =	task.clear_ibuf [dreg:s8], $0x2FFFF;
	_ =	strace $0x9FFFFFFF  }
0xc9: {  	(tm) =	ssettm $0x7FFFFFFF  }
tec
execute0_lowered:
.L_overlay_start_1:
0x0: {  	(tag) =	ssettag $0x1  }
0x1: {  	s4 =	rddreg [dreg:$0x0]  }
0x2: {  	s5 =	rddreg [dreg:$0x1]  }
0x3: {  	s6 =	rddreg [dreg:$0x2]  }
0x4: {  	s0 =	rddreg [dreg:$0x3];
	s2 =	simm.s32 $0x0;
	s3 =	srdreg.scid  }
0x5: {  	s1 =	stileid.u32;
	s10 =	simm.s32 $0x880;
	s11 =	simm.s32 $0x1080  }
0x6: {  	s12 =	simm.s32 $0x1880;
	s13 =	simm.s32 $0x2080;
	s14 =	simm.s32 $0x2880  }
0x7: {  	s15 =	simm.s32 $0x3080;
	s16 =	simm.s32 $0x3880;
	s17 =	simm.s32 $0x1  }
0x8: {  	[smem:$0x7FF] =	sst s2;
	s3 =	sand.u32 $0x1, s3;
	s8 =	sshll.u32 s1, $0x6  }
0x9: {  	s7 =	ssub.s32 $0x2, s3;
	s3 =	sshll.u32 s3, $0x5;
	_ =	strace $0x80000047  }
0xa: {  	s9 =	sshrl.u32 s7, $0x1;
	s8 =	sor.u32 s3, s8;
	s3 =	sadd.s32 $0x1A00, s5  }
0xb: {  	v2 =	vlaneseq.u32;
	s5 =	sadd.s32 $0x1B00, s5;
	s7 =	ssub.s32 s7, s9;
	s31 =	sshrl.u32 s8, $0x3  }
0xc: {  	vm0 =	vmmov $0xffff;
	v1 =	vshrl.u32 v2, $0x3;
	s8 =	sshll.u32 s8, $0x6;
	s9 =	simm.s32 $0x80;
	s4 =	sadd.s32 s4, s31  }
0xd: {  	v0 =	vand.u32 $0x7, v2;
	v2 =	vor.u32 $0x8, v2;
	v1 =	vmul.u32 $0x8, v1;
	s6 =	sadd.s32 s6, s8;
	s7 =	smax.u32 s7, $0x1;
	s8 =	simm.s32 $0x2  }
.LBB2_1:
0xe: {  	[tilespmem:s2], [sflag:$0x2] =	stream.linear.gather [hbm4b:s4+s2], $0x20, $0x38;
	[tilespmem:$0x4080] =	vst v63  }
0xf: {  	_ =	swait.ge [sflag:s8], $0x20  }
0x10: {  	[sflag:s8] =	ssyncset.done $0x0  }
0x11: {  	[sflag:s8] =	ssyncadd.s32 $0xFFFFFFE0  }
0x12: {  	v3 =	vld [tilespmem:$0x0];
	_ =	sdelay $0x4  }
0x13: {  	v4 =	vshll.u32 v3, $0x2  }
0x14: {  	v3 =	vand.u32 $0x7, v3;
	v4 =	vand.u32 $0xFFFFFFE0, v4  }
0x15: {  	v3 =	vor.u32 v3, v4  }
0x16: {  	v4 =	vperm.xlane v3, v0;
	_ =	sdelay $0x1  }
0x17: {  	v4 =	vadd.s32 v1, v4;
	_ =	sdelay $0x1  }
0x18: {  	v3 =	vperm.xlane v3, v2;
	_ =	sdelay $0x1  }
0x19: {  	v3 =	vadd.s32 v1, v3  }
0x1a: {  	[tilespmem:s9], [sflag:$0x1] =	stream.indirect_vreg.gather [hbm4b:s3+s2], $0x80, v4, vm0, $0xb8;
	[tilespmem:$0x4080] =	vst v63  }
0x1b: {  	_ = 	snop  }
0x1c: {  	[tilespmem:s10], [sflag:$0x1] =	stream.indirect_vreg.gather [hbm4b:s5+s2], $0x80, v4, vm0, $0xb8;
	[tilespmem:$0x4080] =	vst v63  }
0x1d: {  	_ = 	snop  }
0x1e: {  	[tilespmem:s11], [sflag:$0x1] =	stream.indirect_vreg.gather [hbm4b:s3+s2], $0x80, v3, vm0, $0xb8;
	[tilespmem:$0x4080] =	vst v63  }
0x1f: {  	_ = 	snop  }
0x20: {  	[tilespmem:s12], [sflag:$0x1] =	stream.indirect_vreg.gather [hbm4b:s5+s2], $0x80, v3, vm0, $0xb8;
	[tilespmem:$0x4080] =	vst v63  }
0x21: {  	v3 =	vld [tilespmem:$0x10];
	_ =	sdelay $0x4  }
0x22: {  	v63 =	vshll.u32 v3, $0x2  }
0x23: {  	v3 =	vand.u32 $0x7, v3;
	v4 =	vand.u32 $0xFFFFFFE0, v63  }
0x24: {  	v3 =	vor.u32 v3, v4  }
0x25: {  	v4 =	vperm.xlane v3, v0;
	_ =	sdelay $0x1  }
0x26: {  	v4 =	vadd.s32 v1, v4;
	_ =	sdelay $0x1  }
0x27: {  	v3 =	vperm.xlane v3, v2;
	_ =	sdelay $0x1  }
0x28: {  	v3 =	vadd.s32 v1, v3  }
0x29: {  	[tilespmem:s13], [sflag:$0x1] =	stream.indirect_vreg.gather [hbm4b:s3+s2], $0x80, v4, vm0, $0xb8;
	[tilespmem:$0x4080] =	vst v63  }
0x2a: {  	_ = 	snop  }
0x2b: {  	[tilespmem:s14], [sflag:$0x1] =	stream.indirect_vreg.gather [hbm4b:s5+s2], $0x80, v4, vm0, $0xb8;
	[tilespmem:$0x4080] =	vst v63  }
0x2c: {  	_ = 	snop  }
0x2d: {  	[tilespmem:s15], [sflag:$0x1] =	stream.indirect_vreg.gather [hbm4b:s3+s2], $0x80, v3, vm0, $0xb8;
	[tilespmem:$0x4080] =	vst v63  }
0x2e: {  	_ = 	snop  }
0x2f: {  	[tilespmem:s16], [sflag:$0x1] =	stream.indirect_vreg.gather [hbm4b:s5+s2], $0x80, v3, vm0, $0xb8;
	[tilespmem:$0x4080] =	vst v63  }
0x30: {  	_ =	swait.ge [sflag:s17], $0x4000  }
0x31: {  	p0 =	sne.s32 s7, $0x1;
	[sflag:s17] =	ssyncset.done $0x0  }
.Ltmp0:
0x32: {  	[sflag:s17] =	ssyncadd.s32 $0xFFFFC000;
	(pc) =	sbr.rel @p0 .LBB2_1-.Ltmp0, $4  }
0x33: {  	[hbm4b:s6+s2] =	stream.linear.scatter [tilespmem:s9], [sflag:$0x2], $0x4000, $0x38;
	[tilespmem:$0x4080] =	vst v63  }
0x34: {  	_ =	swait.ge [sflag:s8], $0x4000  }
0x35: {  	[sflag:s8] =	ssyncset.done $0x0  }
0x36: {  	s7 =	sadd.s32 $0xFFFFFFFF, s7;
	[sflag:s8] =	ssyncadd.s32 $0xFFFFC000  }
0x37: {  	_ =	sfence.sel $0x180000  }
0x38: {  	[bflag:$0x0] =	sbarrier.arrive $0xFFFF  }
0x39: {  	p0 =	sne.s32 s1, $0x0;
	_ =	strace $0x90000047  }
0x3a: {  	s0 =	sadd.s32 @!p0 $0x100000, s0;
	[bflag:$0x2] =	sbarrier.arrive $0xFFFF  }
0x3b: {  	[sflag:s0] =	ssyncadd.tile.s32 @!p0 $0x1;
	_ =	shalt  }
.Lfunc_end2:
_tile_overlayer_lowered:
.L_overlay_start_2:
0x3c: {  	(tag) =	ssettag $0x2  }
0x3d: {  	s0 =	rddreg [dreg:$0x0];
	s2 =	stileid.u32  }
0x3e: {  	s1 =	rddreg [dreg:$0x1];
	p0 =	sne.s32 s2, $0x0  }
0x3f: {  	s3 =	rddreg [dreg:$0x2];
	[bflag:$0x3] =	sbarrier.arrive $0xFFFF;
	s2 =	simm.s32 @!p0 $0x1C02  }
0x40: {  	[timem:s3], [sflag:s2] =	dma.local @!p0 [hbm:s0], s1  }
0x41: {  	s0 =	simm.s32 @!p0 $0x2  }
0x42: {  	_ =	swait.ge @!p0 [sflag:s0], s1  }
0x43: {  	s1 =	ssub.s32 @!p0 $0x0, s1;
	[sflag:s0] =	ssyncset.done @!p0 $0x0  }
0x44: {  	[sflag:s0] =	ssyncadd.s32 @!p0 s1  }
0x45: {  	[bflag:$0x3] =	sbarrier.arrive $0xFFFF  }
0x46: {  	_ =	shalt  }

</sc_bundles>
